<compile_context>
chip_gen: v7x
topology: tpu7x:2x2x1
jax: 0.10.2.dev20260603
libtpu: 0.0.44.dev20260713+nightly
codegen_flags: <defaults>
</compile_context>

<pallas_src>
import functools

import jax
import jax.numpy as jnp
from jax import lax
from jax.experimental import pallas as pl
from jax.experimental.pallas import tpu as pltpu
from jax.experimental.pallas import tpu_sc as plsc

EMB_DIM = 32
NUM_EMB = 8192
ROWS = 4096
BLK = 1024
NBLK = ROWS // BLK
CHK = 512
TOTAL = 16 * 8192
LOSS_SCALE = 1.25 / TOTAL


def _argmin_body(x_ref, w_ref, idx_ref, loss_ref, wsq_ref, wn2_ref, fiota_ref,
                 mm_ref):
    i = pl.program_id(0)

    @pl.when(i == 0)
    def _init():
        w = w_ref[...]
        wsq_ref[...] = jnp.sum(w * w, axis=1).reshape(1, NUM_EMB)
        wn2_ref[...] = w * (-2.0)
        fiota_ref[...] = lax.broadcasted_iota(
            jnp.int32, (1, NUM_EMB), 1).astype(jnp.float32)

    xb = x_ref[...]
    xsq = jnp.sum(xb * xb, axis=1, keepdims=True)
    mmn2 = lax.dot_general(xb, wn2_ref[...], (((1,), (1,)), ((), ())),
                           preferred_element_type=jnp.float32)
    mm_ref[...] = mmn2

    rmin = (xsq + wsq_ref[:, :CHK]) + mm_ref[:, :CHK]
    rcid = jnp.zeros((BLK, CHK), jnp.float32)
    for c in range(1, NUM_EMB // CHK):
        off = c * CHK
        d_c = (xsq + wsq_ref[:, off:off + CHK]) + mm_ref[:, off:off + CHK]
        upd = d_c < rmin
        rmin = jnp.minimum(rmin, d_c)
        rcid = jnp.where(upd, jnp.float32(c), rcid)

    gmin = jnp.min(rmin, axis=1, keepdims=True)
    jf = rcid * jnp.float32(CHK) + fiota_ref[:, :CHK]
    idxf = jnp.min(jnp.where(rmin == gmin, jf, jnp.float32(1e9)), axis=1)
    idx_ref[...] = idxf.astype(jnp.int32)
    partial = jnp.sum(gmin)
    total = jnp.where(i == 0, partial, loss_ref[0, 0] + partial)
    loss_ref[0, 0] = jnp.where(i == NBLK - 1, total * LOSS_SCALE, total)


def _argmin_call(flat_x, W):
    return pl.pallas_call(
        _argmin_body,
        grid=(NBLK,),
        in_specs=[
            pl.BlockSpec((BLK, EMB_DIM), lambda i: (i, 0)),
            pl.BlockSpec((NUM_EMB, EMB_DIM), lambda i: (0, 0)),
        ],
        out_specs=[
            pl.BlockSpec((BLK,), lambda i: (i,)),
            pl.BlockSpec(memory_space=pltpu.SMEM),
        ],
        out_shape=[
            jax.ShapeDtypeStruct((ROWS,), jnp.int32),
            jax.ShapeDtypeStruct((1, 1), jnp.float32),
        ],
        scratch_shapes=[
            pltpu.VMEM((1, NUM_EMB), jnp.float32),
            pltpu.VMEM((NUM_EMB, EMB_DIM), jnp.float32),
            pltpu.VMEM((1, NUM_EMB), jnp.float32),
            pltpu.VMEM((BLK, NUM_EMB), jnp.float32),
        ],
    )(flat_x, W)


_NC = 1
_NS = 16
_NW = _NC * _NS
_BPW = ROWS // _NW


@functools.cache
def _get_sc_gather():
    @functools.partial(
        pl.kernel,
        out_type=jax.ShapeDtypeStruct((ROWS, EMB_DIM), jnp.float32),
        mesh=plsc.VectorSubcoreMesh(core_axis_name="c", subcore_axis_name="s",
                                    num_cores=_NC, num_subcores=_NS),
        scratch_types=[
            pltpu.VMEM((_BPW,), jnp.int32),
            pltpu.VMEM((_BPW, EMB_DIM), jnp.float32),
            pltpu.SemaphoreType.DMA,
        ],
        compiler_params=pltpu.CompilerParams(use_tc_tiling_on_sc=False),
    )
    def _sc_gather(table_hbm, idx_hbm, out_hbm, idx_v, rows_v, sem):
        wid = lax.axis_index("s") * _NC + lax.axis_index("c")
        base = wid * _BPW
        pltpu.sync_copy(idx_hbm.at[pl.ds(base, _BPW)], idx_v)
        pltpu.async_copy(table_hbm.at[idx_v], rows_v, sem).wait()
        pltpu.sync_copy(rows_v, out_hbm.at[pl.ds(base, _BPW)])

    return _sc_gather


def kernel(x, W):
    flat_x = x.reshape(ROWS, EMB_DIM)
    idx, loss2 = _argmin_call(flat_x, W)
    q_flat = _get_sc_gather()(W, idx)
    quantized = q_flat.reshape(x.shape)
    return (quantized, loss2[0, 0])

# --- scband reference (transcript-rebuilt; emitter-appended) ---
"""Pipeline reference for scband-multi-vector-quantizer-55903294324895 (READ-ONLY COPY).

The authoritative reference and input builder live on the scoring server;
editing this copy changes nothing except your own understanding.
"""

import jax, jax.numpy as jnp
import numpy as np

EMBEDDING_DIM = 32
NUM_EMBEDDINGS = 8192
COMMITMENT_COST = 0.25
EMBEDDING_COST = 1.0


def setup_inputs(seed: int = 0) -> dict:
    key = jax.random.key(seed)
    k1, k2 = jax.random.split(key)
    x = jax.random.normal(k1, (16, 8192), dtype=jnp.float32)
    # learned codebook (nn.Embedding weight), sized per init_kwargs
    W = jax.random.normal(k2, (NUM_EMBEDDINGS, EMBEDDING_DIM), dtype=jnp.float32)
    return {"x": x, "W": W}


def reference(x, W):
    B = x.shape[0]
    # get_code_flat_indices
    flat_x = x.reshape(-1, EMBEDDING_DIM)
    distances = (
        jnp.sum(flat_x ** 2, axis=1, keepdims=True)
        + jnp.sum(W ** 2, axis=1)
        - 2.0 * jnp.matmul(flat_x, W.T)
    )
    encoding_indices = jnp.argmin(distances, axis=1)
    # get_code_indices: reshape to (B, n_tokens)
    encoding_indices = encoding_indices.reshape(B, -1)
    # quantize: embedding lookup then reshape back to (B, total_dim)
    flat_indices = encoding_indices.reshape(-1)
    quantized = jnp.take(W, flat_indices, axis=0).reshape(B, -1)
    # losses (MSELoss = mean over all elements)
    q_latent_loss = jnp.mean((quantized - jax.lax.stop_gradient(x)) ** 2) * EMBEDDING_COST
    e_latent_loss = jnp.mean((x - jax.lax.stop_gradient(quantized)) ** 2) * COMMITMENT_COST
    loss = q_latent_loss + e_latent_loss
    # straight-through estimator
    quantized_st = x + jax.lax.stop_gradient(quantized - x)
    return (quantized_st, loss)

if __name__ == "__main__":
    import jax
    _d = setup_inputs()
    print(jax.jit(kernel)(*tuple(_d.values())))

</pallas_src>

<mosaic_0001>
#map = affine_map<(d0, d1) -> (0, 0)>
#map1 = affine_map<(d0, d1) -> (0)>
module attributes {stable_mosaic.version = 14 : i64} {
  func.func @_sc_gather(%arg0: i32, %arg1: i32, %arg2: memref<8192x32xf32, #tpu.memory_space<hbm>>, %arg3: memref<4096xi32, #tpu.memory_space<hbm>>, %arg4: memref<4096x32xf32, #tpu.memory_space<hbm>>, %arg5: memref<256xi32, #tpu.memory_space<vmem>>, %arg6: memref<256x32xf32, #tpu.memory_space<vmem>>, %arg7: memref<!tpu.dma_semaphore, #tpu.memory_space<semaphore_mem>>) attributes {dimension_semantics = [#tpu.dimension_semantics<core_parallel>, #tpu.dimension_semantics<subcore_parallel>], iteration_bounds = array<i64: 1, 16>, scalar_prefetch = 0 : i64, scratch_operands = 3 : i64, tpu.core_type = #tpu.core_type<sc_vector_subcore>, window_params = [{transform_indices = #map}, {transform_indices = #map1}, {transform_indices = #map}]} {
    %mul3A = arith.constant 1 : i32
    %mul3A_0 = arith.muli %arg1, %mul3A : i32
    %add3A = arith.addi %mul3A_0, %arg0 : i32
    %mul3A_1 = arith.constant 256 : i32
    %mul3A_2 = arith.muli %add3A, %mul3A_1 : i32
    "tpu.region"() ({
      %run_scoped3A = tpu.sem_alloc : memref<!tpu.dma_semaphore, #tpu.memory_space<semaphore_mem>>
      %dma_start3A_7 = tpu.memref_slice %arg3[%mul3A_2] : memref<4096xi32, #tpu.memory_space<hbm>> -> memref<256xi32, #tpu.memory_space<hbm>>
      %dma_start3A_8 = tpu.memref_slice %arg3[%mul3A_2] : memref<4096xi32, #tpu.memory_space<hbm>> -> memref<256xi32, #tpu.memory_space<hbm>>
      tpu.enqueue_dma source(%dma_start3A_8 : memref<256xi32, #tpu.memory_space<hbm>>) target(%arg5 : memref<256xi32, #tpu.memory_space<vmem>>) target_semaphore(%run_scoped3A : memref<!tpu.dma_semaphore, #tpu.memory_space<semaphore_mem>>)
      %dma_wait3A_9 = tpu.memref_slice %arg3[%mul3A_2] : memref<4096xi32, #tpu.memory_space<hbm>> -> memref<256xi32, #tpu.memory_space<hbm>>
      %dma_wait3A_10 = tpu.memref_slice %arg3[%mul3A_2] : memref<4096xi32, #tpu.memory_space<hbm>> -> memref<256xi32, #tpu.memory_space<hbm>>
      tpu.wait_dma2 semaphore(%run_scoped3A : memref<!tpu.dma_semaphore, #tpu.memory_space<semaphore_mem>>) src(%dma_wait3A_10 : memref<256xi32, #tpu.memory_space<hbm>>) dst(%arg5 : memref<256xi32, #tpu.memory_space<vmem>>)
      tpu.yield
    }) : () -> ()
    %dma_start3A = arith.constant 0 : i32
    %dma_start3A_3 = arith.constant 0 : i32
    %dma_start3A_4 = tpu.memref_slice %arg2[%dma_start3A, %dma_start3A_3] : memref<8192x32xf32, #tpu.memory_space<hbm>> -> memref<8192x32xf32, #tpu.memory_space<hbm>>
    tpu.enqueue_indirect_dma source(%dma_start3A_4 : memref<8192x32xf32, #tpu.memory_space<hbm>>) target(%arg6 : memref<256x32xf32, #tpu.memory_space<vmem>>) offsets(%arg5 : memref<256xi32, #tpu.memory_space<vmem>>) semaphore(%arg7 : memref<!tpu.dma_semaphore, #tpu.memory_space<semaphore_mem>>)
    %dma_wait3A = arith.constant 0 : i32
    %dma_wait3A_5 = arith.constant 0 : i32
    %dma_wait3A_6 = tpu.memref_slice %arg2[%dma_wait3A, %dma_wait3A_5] : memref<8192x32xf32, #tpu.memory_space<hbm>> -> memref<8192x32xf32, #tpu.memory_space<hbm>>
    tpu.wait_indirect_dma semaphore(%arg7 : memref<!tpu.dma_semaphore, #tpu.memory_space<semaphore_mem>>) src(%dma_wait3A_6 : memref<8192x32xf32, #tpu.memory_space<hbm>>) dst(%arg6 : memref<256x32xf32, #tpu.memory_space<vmem>>)
    "tpu.region"() ({
      %run_scoped3A = tpu.sem_alloc : memref<!tpu.dma_semaphore, #tpu.memory_space<semaphore_mem>>
      %dma_start3A_7 = arith.constant 0 : i32
      %dma_start3A_8 = tpu.memref_slice %arg4[%mul3A_2, %dma_start3A_7] : memref<4096x32xf32, #tpu.memory_space<hbm>> -> memref<256x32xf32, #tpu.memory_space<hbm>>
      %dma_start3A_9 = arith.constant 0 : i32
      %dma_start3A_10 = tpu.memref_slice %arg4[%mul3A_2, %dma_start3A_9] : memref<4096x32xf32, #tpu.memory_space<hbm>> -> memref<256x32xf32, #tpu.memory_space<hbm>>
      tpu.enqueue_dma source(%arg6 : memref<256x32xf32, #tpu.memory_space<vmem>>) target(%dma_start3A_10 : memref<256x32xf32, #tpu.memory_space<hbm>>) target_semaphore(%run_scoped3A : memref<!tpu.dma_semaphore, #tpu.memory_space<semaphore_mem>>)
      %dma_wait3A_11 = arith.constant 0 : i32
      %dma_wait3A_12 = tpu.memref_slice %arg4[%mul3A_2, %dma_wait3A_11] : memref<4096x32xf32, #tpu.memory_space<hbm>> -> memref<256x32xf32, #tpu.memory_space<hbm>>
      %dma_wait3A_13 = arith.constant 0 : i32
      %dma_wait3A_14 = tpu.memref_slice %arg4[%mul3A_2, %dma_wait3A_13] : memref<4096x32xf32, #tpu.memory_space<hbm>> -> memref<256x32xf32, #tpu.memory_space<hbm>>
      tpu.wait_dma2 semaphore(%run_scoped3A : memref<!tpu.dma_semaphore, #tpu.memory_space<semaphore_mem>>) src(%arg6 : memref<256x32xf32, #tpu.memory_space<vmem>>) dst(%dma_wait3A_14 : memref<256x32xf32, #tpu.memory_space<hbm>>)
      tpu.yield
    }) : () -> ()
    return
  }
}

module attributes {stable_mosaic.version = 14 : i64} {
  func.func @_argmin_body(%arg0: i32, %arg1: memref<1024x32xf32, #tpu.memory_space<vmem>>, %arg2: memref<8192x32xf32, #tpu.memory_space<vmem>>, %arg3: memref<1024xi32, #tpu.memory_space<vmem>>, %arg4: memref<1x1xf32, #tpu.memory_space<smem>>, %arg5: memref<1x8192xf32, #tpu.memory_space<vmem>>, %arg6: memref<8192x32xf32, #tpu.memory_space<vmem>>, %arg7: memref<1x8192xf32, #tpu.memory_space<vmem>>, %arg8: memref<1024x8192xf32, #tpu.memory_space<vmem>>) attributes {dimension_semantics = [#tpu.dimension_semantics<arbitrary>], iteration_bounds = array<i64: 4>, scalar_prefetch = 0 : i64, scratch_operands = 4 : i64, tpu.core_type = #tpu.core_type<tc>, window_params = [{transform_indices = @transform_0, window_bounds = array<i64: 1024, 32>}, {pipeline_mode = #tpu.pipeline_mode<synchronous>, transform_indices = @transform_1, window_bounds = array<i64: 8192, 32>}, {transform_indices = @transform_2, window_bounds = array<i64: 1024>}, {transform_indices = @transform_3, window_bounds = array<i64: 1, 1>}]} {
    %eq3A = arith.constant 0 : i32
    %eq3A_0 = arith.cmpi eq, %arg0, %eq3A : i32
    %convert_element_type3A = arith.extui %eq3A_0 : i1 to i32
    %cond3A = arith.constant 0 : i32
    %cond3A_1 = arith.cmpi ne, %convert_element_type3A, %cond3A : i32
    scf.if %cond3A_1 {
      %get3A_283 = arith.constant 0 : index
      %get3A_284 = arith.constant 0 : index
      %get3A_285 = vector.load %arg2[%get3A_283, %get3A_284] : memref<8192x32xf32, #tpu.memory_space<vmem>>, vector<8192x32xf32>
      %mul3A_286 = arith.mulf %get3A_285, %get3A_285 : vector<8192x32xf32>
      %reduce_sum3A_287 = arith.constant dense<0.000000e+00> : vector<8192xf32>
      %reduce_sum3A_288 = vector.multi_reduction <add>, %mul3A_286, %reduce_sum3A_287 [1] : vector<8192x32xf32> to vector<8192xf32>
      %reshape3A = vector.shape_cast %reduce_sum3A_288 : vector<8192xf32> to vector<1x8192xf32>
      %swap3A_289 = arith.constant 0 : index
      %swap3A_290 = arith.constant 0 : index
      %swap3A_291 = vector.load %arg5[%swap3A_289, %swap3A_290] : memref<1x8192xf32, #tpu.memory_space<vmem>>, vector<1x8192xf32>
      tpu.vector_store %arg5[%swap3A_289, %swap3A_290], %reshape3A {strides = array<i32>} : memref<1x8192xf32, #tpu.memory_space<vmem>>, vector<1x8192xf32>,
      %mul3A_292 = arith.constant -2.000000e+00 : f32
      %mul3A_293 = vector.broadcast %mul3A_292 : f32 to vector<8192x32xf32>
      %mul3A_294 = arith.mulf %get3A_285, %mul3A_293 : vector<8192x32xf32>
      %swap3A_295 = arith.constant 0 : index
      %swap3A_296 = arith.constant 0 : index
      %swap3A_297 = vector.load %arg6[%swap3A_295, %swap3A_296] : memref<8192x32xf32, #tpu.memory_space<vmem>>, vector<8192x32xf32>
      tpu.vector_store %arg6[%swap3A_295, %swap3A_296], %mul3A_294 {strides = array<i32>} : memref<8192x32xf32, #tpu.memory_space<vmem>>, vector<8192x32xf32>,
      %iota3A = tpu.iota {dimensions = array<i32: 1>} : vector<1x8192xi32>
      %convert_element_type3A_298 = arith.sitofp %iota3A : vector<1x8192xi32> to vector<1x8192xf32>
      %swap3A_299 = arith.constant 0 : index
      %swap3A_300 = arith.constant 0 : index
      %swap3A_301 = vector.load %arg7[%swap3A_299, %swap3A_300] : memref<1x8192xf32, #tpu.memory_space<vmem>>, vector<1x8192xf32>
      tpu.vector_store %arg7[%swap3A_299, %swap3A_300], %convert_element_type3A_298 {strides = array<i32>} : memref<1x8192xf32, #tpu.memory_space<vmem>>, vector<1x8192xf32>,
    } else {
    }
    %get3A = arith.constant 0 : index
    %get3A_2 = arith.constant 0 : index
    %get3A_3 = vector.load %arg1[%get3A, %get3A_2] : memref<1024x32xf32, #tpu.memory_space<vmem>>, vector<1024x32xf32>
    %mul3A = arith.mulf %get3A_3, %get3A_3 : vector<1024x32xf32>
    %reduce_sum3A = arith.constant dense<0.000000e+00> : vector<1024xf32>
    %reduce_sum3A_4 = vector.multi_reduction <add>, %mul3A, %reduce_sum3A [1] : vector<1024x32xf32> to vector<1024xf32>
    %broadcast_in_dim3A = vector.shape_cast %reduce_sum3A_4 : vector<1024xf32> to vector<1024x1xf32>
    %get3A_5 = arith.constant 0 : index
    %get3A_6 = arith.constant 0 : index
    %get3A_7 = vector.load %arg6[%get3A_5, %get3A_6] : memref<8192x32xf32, #tpu.memory_space<vmem>>, vector<8192x32xf32>
    %dot_general3A = arith.constant dense<0.000000e+00> : vector<1024x8192xf32>
    %dot_general3A_8 = tpu.matmul %get3A_3, %get3A_7, %dot_general3A {dimension_numbers = #tpu.dot_dimension_numbers<[1], [1], [0], [0], [0, 0, 1, 0], [], []>, transpose_lhs_hint = false} : vector<1024x32xf32>, vector<8192x32xf32>, vector<1024x8192xf32> -> vector<1024x8192xf32>
    %swap3A = arith.constant 0 : index
    %swap3A_9 = arith.constant 0 : index
    %swap3A_10 = vector.load %arg8[%swap3A, %swap3A_9] : memref<1024x8192xf32, #tpu.memory_space<vmem>>, vector<1024x8192xf32>
    tpu.vector_store %arg8[%swap3A, %swap3A_9], %dot_general3A_8 {strides = array<i32>} : memref<1024x8192xf32, #tpu.memory_space<vmem>>, vector<1024x8192xf32>,
    %get3A_11 = arith.constant 0 : index
    %get3A_12 = arith.constant 0 : index
    %get3A_13 = vector.load %arg5[%get3A_11, %get3A_12] : memref<1x8192xf32, #tpu.memory_space<vmem>>, vector<1x512xf32>
    %add3A = vector.broadcast %broadcast_in_dim3A : vector<1024x1xf32> to vector<1024x512xf32>
    %add3A_14 = vector.broadcast %get3A_13 : vector<1x512xf32> to vector<1024x512xf32>
    %add3A_15 = arith.addf %add3A, %add3A_14 : vector<1024x512xf32>
    %get3A_16 = arith.constant 0 : index
    %get3A_17 = arith.constant 0 : index
    %get3A_18 = vector.load %arg8[%get3A_16, %get3A_17] : memref<1024x8192xf32, #tpu.memory_space<vmem>>, vector<1024x512xf32>
    %add3A_19 = arith.addf %add3A_15, %get3A_18 : vector<1024x512xf32>
    %broadcast_in_dim3A_20 = arith.constant 0.000000e+00 : f32
    %broadcast_in_dim3A_21 = vector.broadcast %broadcast_in_dim3A_20 : f32 to vector<1024x512xf32>
    %get3A_22 = arith.constant 0 : index
    %get3A_23 = arith.constant 512 : index
    %get3A_24 = vector.load %arg5[%get3A_22, %get3A_23] : memref<1x8192xf32, #tpu.memory_space<vmem>>, vector<1x512xf32>
    %add3A_25 = vector.broadcast %broadcast_in_dim3A : vector<1024x1xf32> to vector<1024x512xf32>
    %add3A_26 = vector.broadcast %get3A_24 : vector<1x512xf32> to vector<1024x512xf32>
    %add3A_27 = arith.addf %add3A_25, %add3A_26 : vector<1024x512xf32>
    %get3A_28 = arith.constant 0 : index
    %get3A_29 = arith.constant 512 : index
    %get3A_30 = vector.load %arg8[%get3A_28, %get3A_29] : memref<1024x8192xf32, #tpu.memory_space<vmem>>, vector<1024x512xf32>
    %add3A_31 = arith.addf %add3A_27, %get3A_30 : vector<1024x512xf32>
    %lt3A = arith.cmpf olt, %add3A_31, %add3A_19 : vector<1024x512xf32>
    %min3A = arith.minimumf %add3A_19, %add3A_31 : vector<1024x512xf32>
    %jit3A = arith.constant 1.000000e+00 : f32
    %broadcast_in_dim3A_32 = vector.broadcast %jit3A : f32 to vector<1024x512xf32>
    %select_n3A = arith.select %lt3A, %broadcast_in_dim3A_32, %broadcast_in_dim3A_21 : vector<1024x512xi1>, vector<1024x512xf32>
    %get3A_33 = arith.constant 0 : index
    %get3A_34 = arith.constant 1024 : index
    %get3A_35 = vector.load %arg5[%get3A_33, %get3A_34] : memref<1x8192xf32, #tpu.memory_space<vmem>>, vector<1x512xf32>
    %add3A_36 = vector.broadcast %broadcast_in_dim3A : vector<1024x1xf32> to vector<1024x512xf32>
    %add3A_37 = vector.broadcast %get3A_35 : vector<1x512xf32> to vector<1024x512xf32>
    %add3A_38 = arith.addf %add3A_36, %add3A_37 : vector<1024x512xf32>
    %get3A_39 = arith.constant 0 : index
    %get3A_40 = arith.constant 1024 : index
    %get3A_41 = vector.load %arg8[%get3A_39, %get3A_40] : memref<1024x8192xf32, #tpu.memory_space<vmem>>, vector<1024x512xf32>
    %add3A_42 = arith.addf %add3A_38, %get3A_41 : vector<1024x512xf32>
    %lt3A_43 = arith.cmpf olt, %add3A_42, %min3A : vector<1024x512xf32>
    %min3A_44 = arith.minimumf %min3A, %add3A_42 : vector<1024x512xf32>
    %jit3A_45 = arith.constant 2.000000e+00 : f32
    %broadcast_in_dim3A_46 = vector.broadcast %jit3A_45 : f32 to vector<1024x512xf32>
    %select_n3A_47 = arith.select %lt3A_43, %broadcast_in_dim3A_46, %select_n3A : vector<1024x512xi1>, vector<1024x512xf32>
    %get3A_48 = arith.constant 0 : index
    %get3A_49 = arith.constant 1536 : index
    %get3A_50 = vector.load %arg5[%get3A_48, %get3A_49] : memref<1x8192xf32, #tpu.memory_space<vmem>>, vector<1x512xf32>
    %add3A_51 = vector.broadcast %broadcast_in_dim3A : vector<1024x1xf32> to vector<1024x512xf32>
    %add3A_52 = vector.broadcast %get3A_50 : vector<1x512xf32> to vector<1024x512xf32>
    %add3A_53 = arith.addf %add3A_51, %add3A_52 : vector<1024x512xf32>
    %get3A_54 = arith.constant 0 : index
    %get3A_55 = arith.constant 1536 : index
    %get3A_56 = vector.load %arg8[%get3A_54, %get3A_55] : memref<1024x8192xf32, #tpu.memory_space<vmem>>, vector<1024x512xf32>
    %add3A_57 = arith.addf %add3A_53, %get3A_56 : vector<1024x512xf32>
    %lt3A_58 = arith.cmpf olt, %add3A_57, %min3A_44 : vector<1024x512xf32>
    %min3A_59 = arith.minimumf %min3A_44, %add3A_57 : vector<1024x512xf32>
    %jit3A_60 = arith.constant 3.000000e+00 : f32
    %broadcast_in_dim3A_61 = vector.broadcast %jit3A_60 : f32 to vector<1024x512xf32>
    %select_n3A_62 = arith.select %lt3A_58, %broadcast_in_dim3A_61, %select_n3A_47 : vector<1024x512xi1>, vector<1024x512xf32>
    %get3A_63 = arith.constant 0 : index
    %get3A_64 = arith.constant 2048 : index
    %get3A_65 = vector.load %arg5[%get3A_63, %get3A_64] : memref<1x8192xf32, #tpu.memory_space<vmem>>, vector<1x512xf32>
    %add3A_66 = vector.broadcast %broadcast_in_dim3A : vector<1024x1xf32> to vector<1024x512xf32>
    %add3A_67 = vector.broadcast %get3A_65 : vector<1x512xf32> to vector<1024x512xf32>
    %add3A_68 = arith.addf %add3A_66, %add3A_67 : vector<1024x512xf32>
    %get3A_69 = arith.constant 0 : index
    %get3A_70 = arith.constant 2048 : index
    %get3A_71 = vector.load %arg8[%get3A_69, %get3A_70] : memref<1024x8192xf32, #tpu.memory_space<vmem>>, vector<1024x512xf32>
    %add3A_72 = arith.addf %add3A_68, %get3A_71 : vector<1024x512xf32>
    %lt3A_73 = arith.cmpf olt, %add3A_72, %min3A_59 : vector<1024x512xf32>
    %min3A_74 = arith.minimumf %min3A_59, %add3A_72 : vector<1024x512xf32>
    %jit3A_75 = arith.constant 4.000000e+00 : f32
    %broadcast_in_dim3A_76 = vector.broadcast %jit3A_75 : f32 to vector<1024x512xf32>
    %select_n3A_77 = arith.select %lt3A_73, %broadcast_in_dim3A_76, %select_n3A_62 : vector<1024x512xi1>, vector<1024x512xf32>
    %get3A_78 = arith.constant 0 : index
    %get3A_79 = arith.constant 2560 : index
    %get3A_80 = vector.load %arg5[%get3A_78, %get3A_79] : memref<1x8192xf32, #tpu.memory_space<vmem>>, vector<1x512xf32>
    %add3A_81 = vector.broadcast %broadcast_in_dim3A : vector<1024x1xf32> to vector<1024x512xf32>
    %add3A_82 = vector.broadcast %get3A_80 : vector<1x512xf32> to vector<1024x512xf32>
    %add3A_83 = arith.addf %add3A_81, %add3A_82 : vector<1024x512xf32>
    %get3A_84 = arith.constant 0 : index
    %get3A_85 = arith.constant 2560 : index
    %get3A_86 = vector.load %arg8[%get3A_84, %get3A_85] : memref<1024x8192xf32, #tpu.memory_space<vmem>>, vector<1024x512xf32>
    %add3A_87 = arith.addf %add3A_83, %get3A_86 : vector<1024x512xf32>
    %lt3A_88 = arith.cmpf olt, %add3A_87, %min3A_74 : vector<1024x512xf32>
    %min3A_89 = arith.minimumf %min3A_74, %add3A_87 : vector<1024x512xf32>
    %jit3A_90 = arith.constant 5.000000e+00 : f32
    %broadcast_in_dim3A_91 = vector.broadcast %jit3A_90 : f32 to vector<1024x512xf32>
    %select_n3A_92 = arith.select %lt3A_88, %broadcast_in_dim3A_91, %select_n3A_77 : vector<1024x512xi1>, vector<1024x512xf32>
    %get3A_93 = arith.constant 0 : index
    %get3A_94 = arith.constant 3072 : index
    %get3A_95 = vector.load %arg5[%get3A_93, %get3A_94] : memref<1x8192xf32, #tpu.memory_space<vmem>>, vector<1x512xf32>
    %add3A_96 = vector.broadcast %broadcast_in_dim3A : vector<1024x1xf32> to vector<1024x512xf32>
    %add3A_97 = vector.broadcast %get3A_95 : vector<1x512xf32> to vector<1024x512xf32>
    %add3A_98 = arith.addf %add3A_96, %add3A_97 : vector<1024x512xf32>
    %get3A_99 = arith.constant 0 : index
    %get3A_100 = arith.constant 3072 : index
    %get3A_101 = vector.load %arg8[%get3A_99, %get3A_100] : memref<1024x8192xf32, #tpu.memory_space<vmem>>, vector<1024x512xf32>
    %add3A_102 = arith.addf %add3A_98, %get3A_101 : vector<1024x512xf32>
    %lt3A_103 = arith.cmpf olt, %add3A_102, %min3A_89 : vector<1024x512xf32>
    %min3A_104 = arith.minimumf %min3A_89, %add3A_102 : vector<1024x512xf32>
    %jit3A_105 = arith.constant 6.000000e+00 : f32
    %broadcast_in_dim3A_106 = vector.broadcast %jit3A_105 : f32 to vector<1024x512xf32>
    %select_n3A_107 = arith.select %lt3A_103, %broadcast_in_dim3A_106, %select_n3A_92 : vector<1024x512xi1>, vector<1024x512xf32>
    %get3A_108 = arith.constant 0 : index
    %get3A_109 = arith.constant 3584 : index
    %get3A_110 = vector.load %arg5[%get3A_108, %get3A_109] : memref<1x8192xf32, #tpu.memory_space<vmem>>, vector<1x512xf32>
    %add3A_111 = vector.broadcast %broadcast_in_dim3A : vector<1024x1xf32> to vector<1024x512xf32>
    %add3A_112 = vector.broadcast %get3A_110 : vector<1x512xf32> to vector<1024x512xf32>
    %add3A_113 = arith.addf %add3A_111, %add3A_112 : vector<1024x512xf32>
    %get3A_114 = arith.constant 0 : index
    %get3A_115 = arith.constant 3584 : index
    %get3A_116 = vector.load %arg8[%get3A_114, %get3A_115] : memref<1024x8192xf32, #tpu.memory_space<vmem>>, vector<1024x512xf32>
    %add3A_117 = arith.addf %add3A_113, %get3A_116 : vector<1024x512xf32>
    %lt3A_118 = arith.cmpf olt, %add3A_117, %min3A_104 : vector<1024x512xf32>
    %min3A_119 = arith.minimumf %min3A_104, %add3A_117 : vector<1024x512xf32>
    %jit3A_120 = arith.constant 7.000000e+00 : f32
    %broadcast_in_dim3A_121 = vector.broadcast %jit3A_120 : f32 to vector<1024x512xf32>
    %select_n3A_122 = arith.select %lt3A_118, %broadcast_in_dim3A_121, %select_n3A_107 : vector<1024x512xi1>, vector<1024x512xf32>
    %get3A_123 = arith.constant 0 : index
    %get3A_124 = arith.constant 4096 : index
    %get3A_125 = vector.load %arg5[%get3A_123, %get3A_124] : memref<1x8192xf32, #tpu.memory_space<vmem>>, vector<1x512xf32>
    %add3A_126 = vector.broadcast %broadcast_in_dim3A : vector<1024x1xf32> to vector<1024x512xf32>
    %add3A_127 = vector.broadcast %get3A_125 : vector<1x512xf32> to vector<1024x512xf32>
    %add3A_128 = arith.addf %add3A_126, %add3A_127 : vector<1024x512xf32>
    %get3A_129 = arith.constant 0 : index
    %get3A_130 = arith.constant 4096 : index
    %get3A_131 = vector.load %arg8[%get3A_129, %get3A_130] : memref<1024x8192xf32, #tpu.memory_space<vmem>>, vector<1024x512xf32>
    %add3A_132 = arith.addf %add3A_128, %get3A_131 : vector<1024x512xf32>
    %lt3A_133 = arith.cmpf olt, %add3A_132, %min3A_119 : vector<1024x512xf32>
    %min3A_134 = arith.minimumf %min3A_119, %add3A_132 : vector<1024x512xf32>
    %jit3A_135 = arith.constant 8.000000e+00 : f32
    %broadcast_in_dim3A_136 = vector.broadcast %jit3A_135 : f32 to vector<1024x512xf32>
    %select_n3A_137 = arith.select %lt3A_133, %broadcast_in_dim3A_136, %select_n3A_122 : vector<1024x512xi1>, vector<1024x512xf32>
    %get3A_138 = arith.constant 0 : index
    %get3A_139 = arith.constant 4608 : index
    %get3A_140 = vector.load %arg5[%get3A_138, %get3A_139] : memref<1x8192xf32, #tpu.memory_space<vmem>>, vector<1x512xf32>
    %add3A_141 = vector.broadcast %broadcast_in_dim3A : vector<1024x1xf32> to vector<1024x512xf32>
    %add3A_142 = vector.broadcast %get3A_140 : vector<1x512xf32> to vector<1024x512xf32>
    %add3A_143 = arith.addf %add3A_141, %add3A_142 : vector<1024x512xf32>
    %get3A_144 = arith.constant 0 : index
    %get3A_145 = arith.constant 4608 : index
    %get3A_146 = vector.load %arg8[%get3A_144, %get3A_145] : memref<1024x8192xf32, #tpu.memory_space<vmem>>, vector<1024x512xf32>
    %add3A_147 = arith.addf %add3A_143, %get3A_146 : vector<1024x512xf32>
    %lt3A_148 = arith.cmpf olt, %add3A_147, %min3A_134 : vector<1024x512xf32>
    %min3A_149 = arith.minimumf %min3A_134, %add3A_147 : vector<1024x512xf32>
    %jit3A_150 = arith.constant 9.000000e+00 : f32
    %broadcast_in_dim3A_151 = vector.broadcast %jit3A_150 : f32 to vector<1024x512xf32>
    %select_n3A_152 = arith.select %lt3A_148, %broadcast_in_dim3A_151, %select_n3A_137 : vector<1024x512xi1>, vector<1024x512xf32>
    %get3A_153 = arith.constant 0 : index
    %get3A_154 = arith.constant 5120 : index
    %get3A_155 = vector.load %arg5[%get3A_153, %get3A_154] : memref<1x8192xf32, #tpu.memory_space<vmem>>, vector<1x512xf32>
    %add3A_156 = vector.broadcast %broadcast_in_dim3A : vector<1024x1xf32> to vector<1024x512xf32>
    %add3A_157 = vector.broadcast %get3A_155 : vector<1x512xf32> to vector<1024x512xf32>
    %add3A_158 = arith.addf %add3A_156, %add3A_157 : vector<1024x512xf32>
    %get3A_159 = arith.constant 0 : index
    %get3A_160 = arith.constant 5120 : index
    %get3A_161 = vector.load %arg8[%get3A_159, %get3A_160] : memref<1024x8192xf32, #tpu.memory_space<vmem>>, vector<1024x512xf32>
    %add3A_162 = arith.addf %add3A_158, %get3A_161 : vector<1024x512xf32>
    %lt3A_163 = arith.cmpf olt, %add3A_162, %min3A_149 : vector<1024x512xf32>
    %min3A_164 = arith.minimumf %min3A_149, %add3A_162 : vector<1024x512xf32>
    %jit3A_165 = arith.constant 1.000000e+01 : f32
    %broadcast_in_dim3A_166 = vector.broadcast %jit3A_165 : f32 to vector<1024x512xf32>
    %select_n3A_167 = arith.select %lt3A_163, %broadcast_in_dim3A_166, %select_n3A_152 : vector<1024x512xi1>, vector<1024x512xf32>
    %get3A_168 = arith.constant 0 : index
    %get3A_169 = arith.constant 5632 : index
    %get3A_170 = vector.load %arg5[%get3A_168, %get3A_169] : memref<1x8192xf32, #tpu.memory_space<vmem>>, vector<1x512xf32>
    %add3A_171 = vector.broadcast %broadcast_in_dim3A : vector<1024x1xf32> to vector<1024x512xf32>
    %add3A_172 = vector.broadcast %get3A_170 : vector<1x512xf32> to vector<1024x512xf32>
    %add3A_173 = arith.addf %add3A_171, %add3A_172 : vector<1024x512xf32>
    %get3A_174 = arith.constant 0 : index
    %get3A_175 = arith.constant 5632 : index
    %get3A_176 = vector.load %arg8[%get3A_174, %get3A_175] : memref<1024x8192xf32, #tpu.memory_space<vmem>>, vector<1024x512xf32>
    %add3A_177 = arith.addf %add3A_173, %get3A_176 : vector<1024x512xf32>
    %lt3A_178 = arith.cmpf olt, %add3A_177, %min3A_164 : vector<1024x512xf32>
    %min3A_179 = arith.minimumf %min3A_164, %add3A_177 : vector<1024x512xf32>
    %jit3A_180 = arith.constant 1.100000e+01 : f32
    %broadcast_in_dim3A_181 = vector.broadcast %jit3A_180 : f32 to vector<1024x512xf32>
    %select_n3A_182 = arith.select %lt3A_178, %broadcast_in_dim3A_181, %select_n3A_167 : vector<1024x512xi1>, vector<1024x512xf32>
    %get3A_183 = arith.constant 0 : index
    %get3A_184 = arith.constant 6144 : index
    %get3A_185 = vector.load %arg5[%get3A_183, %get3A_184] : memref<1x8192xf32, #tpu.memory_space<vmem>>, vector<1x512xf32>
    %add3A_186 = vector.broadcast %broadcast_in_dim3A : vector<1024x1xf32> to vector<1024x512xf32>
    %add3A_187 = vector.broadcast %get3A_185 : vector<1x512xf32> to vector<1024x512xf32>
    %add3A_188 = arith.addf %add3A_186, %add3A_187 : vector<1024x512xf32>
    %get3A_189 = arith.constant 0 : index
    %get3A_190 = arith.constant 6144 : index
    %get3A_191 = vector.load %arg8[%get3A_189, %get3A_190] : memref<1024x8192xf32, #tpu.memory_space<vmem>>, vector<1024x512xf32>
    %add3A_192 = arith.addf %add3A_188, %get3A_191 : vector<1024x512xf32>
    %lt3A_193 = arith.cmpf olt, %add3A_192, %min3A_179 : vector<1024x512xf32>
    %min3A_194 = arith.minimumf %min3A_179, %add3A_192 : vector<1024x512xf32>
    %jit3A_195 = arith.constant 1.200000e+01 : f32
    %broadcast_in_dim3A_196 = vector.broadcast %jit3A_195 : f32 to vector<1024x512xf32>
    %select_n3A_197 = arith.select %lt3A_193, %broadcast_in_dim3A_196, %select_n3A_182 : vector<1024x512xi1>, vector<1024x512xf32>
    %get3A_198 = arith.constant 0 : index
    %get3A_199 = arith.constant 6656 : index
    %get3A_200 = vector.load %arg5[%get3A_198, %get3A_199] : memref<1x8192xf32, #tpu.memory_space<vmem>>, vector<1x512xf32>
    %add3A_201 = vector.broadcast %broadcast_in_dim3A : vector<1024x1xf32> to vector<1024x512xf32>
    %add3A_202 = vector.broadcast %get3A_200 : vector<1x512xf32> to vector<1024x512xf32>
    %add3A_203 = arith.addf %add3A_201, %add3A_202 : vector<1024x512xf32>
    %get3A_204 = arith.constant 0 : index
    %get3A_205 = arith.constant 6656 : index
    %get3A_206 = vector.load %arg8[%get3A_204, %get3A_205] : memref<1024x8192xf32, #tpu.memory_space<vmem>>, vector<1024x512xf32>
    %add3A_207 = arith.addf %add3A_203, %get3A_206 : vector<1024x512xf32>
    %lt3A_208 = arith.cmpf olt, %add3A_207, %min3A_194 : vector<1024x512xf32>
    %min3A_209 = arith.minimumf %min3A_194, %add3A_207 : vector<1024x512xf32>
    %jit3A_210 = arith.constant 1.300000e+01 : f32
    %broadcast_in_dim3A_211 = vector.broadcast %jit3A_210 : f32 to vector<1024x512xf32>
    %select_n3A_212 = arith.select %lt3A_208, %broadcast_in_dim3A_211, %select_n3A_197 : vector<1024x512xi1>, vector<1024x512xf32>
    %get3A_213 = arith.constant 0 : index
    %get3A_214 = arith.constant 7168 : index
    %get3A_215 = vector.load %arg5[%get3A_213, %get3A_214] : memref<1x8192xf32, #tpu.memory_space<vmem>>, vector<1x512xf32>
    %add3A_216 = vector.broadcast %broadcast_in_dim3A : vector<1024x1xf32> to vector<1024x512xf32>
    %add3A_217 = vector.broadcast %get3A_215 : vector<1x512xf32> to vector<1024x512xf32>
    %add3A_218 = arith.addf %add3A_216, %add3A_217 : vector<1024x512xf32>
    %get3A_219 = arith.constant 0 : index
    %get3A_220 = arith.constant 7168 : index
    %get3A_221 = vector.load %arg8[%get3A_219, %get3A_220] : memref<1024x8192xf32, #tpu.memory_space<vmem>>, vector<1024x512xf32>
    %add3A_222 = arith.addf %add3A_218, %get3A_221 : vector<1024x512xf32>
    %lt3A_223 = arith.cmpf olt, %add3A_222, %min3A_209 : vector<1024x512xf32>
    %min3A_224 = arith.minimumf %min3A_209, %add3A_222 : vector<1024x512xf32>
    %jit3A_225 = arith.constant 1.400000e+01 : f32
    %broadcast_in_dim3A_226 = vector.broadcast %jit3A_225 : f32 to vector<1024x512xf32>
    %select_n3A_227 = arith.select %lt3A_223, %broadcast_in_dim3A_226, %select_n3A_212 : vector<1024x512xi1>, vector<1024x512xf32>
    %get3A_228 = arith.constant 0 : index
    %get3A_229 = arith.constant 7680 : index
    %get3A_230 = vector.load %arg5[%get3A_228, %get3A_229] : memref<1x8192xf32, #tpu.memory_space<vmem>>, vector<1x512xf32>
    %add3A_231 = vector.broadcast %broadcast_in_dim3A : vector<1024x1xf32> to vector<1024x512xf32>
    %add3A_232 = vector.broadcast %get3A_230 : vector<1x512xf32> to vector<1024x512xf32>
    %add3A_233 = arith.addf %add3A_231, %add3A_232 : vector<1024x512xf32>
    %get3A_234 = arith.constant 0 : index
    %get3A_235 = arith.constant 7680 : index
    %get3A_236 = vector.load %arg8[%get3A_234, %get3A_235] : memref<1024x8192xf32, #tpu.memory_space<vmem>>, vector<1024x512xf32>
    %add3A_237 = arith.addf %add3A_233, %get3A_236 : vector<1024x512xf32>
    %lt3A_238 = arith.cmpf olt, %add3A_237, %min3A_224 : vector<1024x512xf32>
    %min3A_239 = arith.minimumf %min3A_224, %add3A_237 : vector<1024x512xf32>
    %jit3A_240 = arith.constant 1.500000e+01 : f32
    %broadcast_in_dim3A_241 = vector.broadcast %jit3A_240 : f32 to vector<1024x512xf32>
    %select_n3A_242 = arith.select %lt3A_238, %broadcast_in_dim3A_241, %select_n3A_227 : vector<1024x512xi1>, vector<1024x512xf32>
    %reduce_min3A = arith.constant dense<0x7F800000> : vector<1024xf32>
    %reduce_min3A_243 = vector.multi_reduction <minimumf>, %min3A_239, %reduce_min3A [1] : vector<1024x512xf32> to vector<1024xf32>
    %broadcast_in_dim3A_244 = vector.shape_cast %reduce_min3A_243 : vector<1024xf32> to vector<1024x1xf32>
    %mul3A_245 = arith.constant 5.120000e+02 : f32
    %mul3A_246 = vector.broadcast %mul3A_245 : f32 to vector<1024x512xf32>
    %mul3A_247 = arith.mulf %select_n3A_242, %mul3A_246 : vector<1024x512xf32>
    %get3A_248 = arith.constant 0 : index
    %get3A_249 = arith.constant 0 : index
    %get3A_250 = vector.load %arg7[%get3A_248, %get3A_249] : memref<1x8192xf32, #tpu.memory_space<vmem>>, vector<1x512xf32>
    %add3A_251 = vector.broadcast %get3A_250 : vector<1x512xf32> to vector<1024x512xf32>
    %add3A_252 = arith.addf %mul3A_247, %add3A_251 : vector<1024x512xf32>
    %eq3A_253 = vector.broadcast %broadcast_in_dim3A_244 : vector<1024x1xf32> to vector<1024x512xf32>
    %eq3A_254 = arith.cmpf oeq, %min3A_239, %eq3A_253 : vector<1024x512xf32>
    %jit3A_255 = arith.constant 1.000000e+09 : f32
    %broadcast_in_dim3A_256 = vector.broadcast %jit3A_255 : f32 to vector<1024x512xf32>
    %select_n3A_257 = arith.select %eq3A_254, %add3A_252, %broadcast_in_dim3A_256 : vector<1024x512xi1>, vector<1024x512xf32>
    %reduce_min3A_258 = arith.constant dense<0x7F800000> : vector<1024xf32>
    %reduce_min3A_259 = vector.multi_reduction <minimumf>, %select_n3A_257, %reduce_min3A_258 [1] : vector<1024x512xf32> to vector<1024xf32>
    %convert_element_type3A_260 = arith.fptosi %reduce_min3A_259 : vector<1024xf32> to vector<1024xi32>
    %swap3A_261 = arith.constant 0 : index
    %swap3A_262 = vector.load %arg3[%swap3A_261] : memref<1024xi32, #tpu.memory_space<vmem>>, vector<1024xi32>
    tpu.vector_store %arg3[%swap3A_261], %convert_element_type3A_260 {strides = array<i32>} : memref<1024xi32, #tpu.memory_space<vmem>>, vector<1024xi32>,
    %reduce_sum3A_263 = vector.shape_cast %broadcast_in_dim3A_244 : vector<1024x1xf32> to vector<1x1024x1xf32>
    %reduce_sum3A_264 = arith.constant dense<0.000000e+00> : vector<1xf32>
    %reduce_sum3A_265 = vector.multi_reduction <add>, %reduce_sum3A_263, %reduce_sum3A_264 [1, 2] : vector<1x1024x1xf32> to vector<1xf32>
    %reduce_sum3A_266 = vector.shape_cast %reduce_sum3A_265 : vector<1xf32> to vector<1x1x1xf32>
    %reduce_sum3A_267 = vector.extract %reduce_sum3A_266[0, 0, 0] : f32 from vector<1x1x1xf32>
    %eq3A_268 = arith.constant 0 : i32
    %eq3A_269 = arith.cmpi eq, %arg0, %eq3A_268 : i32
    %get3A_270 = arith.constant 0 : index
    %get3A_271 = arith.constant 0 : index
    %get3A_272 = memref.load %arg4[%get3A_270, %get3A_271] : memref<1x1xf32, #tpu.memory_space<smem>>
    %add3A_273 = arith.addf %get3A_272, %reduce_sum3A_267 : f32
    %select_n3A_274 = arith.select %eq3A_269, %reduce_sum3A_267, %add3A_273 : f32
    %eq3A_275 = arith.constant 3 : i32
    %eq3A_276 = arith.cmpi eq, %arg0, %eq3A_275 : i32
    %mul3A_277 = arith.constant 9.53674316E-6 : f32
    %mul3A_278 = arith.mulf %select_n3A_274, %mul3A_277 : f32
    %select_n3A_279 = arith.select %eq3A_276, %mul3A_278, %select_n3A_274 : f32
    %swap3A_280 = arith.constant 0 : index
    %swap3A_281 = arith.constant 0 : index
    %swap3A_282 = memref.load %arg4[%swap3A_280, %swap3A_281] : memref<1x1xf32, #tpu.memory_space<smem>>
    memref.store %select_n3A_279, %arg4[%swap3A_280, %swap3A_281] : memref<1x1xf32, #tpu.memory_space<smem>>
    return
  }
  func.func @transform_0(%arg0: i32) -> (i32, i32) {
    %c0_i32 = arith.constant 0 : i32
    %c0_i32_0 = arith.constant 0 : i32
    return %arg0, %c0_i32 : i32, i32
  }
  func.func @transform_1(%arg0: i32) -> (i32, i32) {
    %c0_i32 = arith.constant 0 : i32
    %c0_i32_0 = arith.constant 0 : i32
    %c0_i32_1 = arith.constant 0 : i32
    return %c0_i32, %c0_i32_0 : i32, i32
  }
  func.func @transform_2(%arg0: i32) -> i32 {
    %c0_i32 = arith.constant 0 : i32
    return %arg0 : i32
  }
  func.func @transform_3(%arg0: i32) -> (i32, i32) {
    %c0_i32 = arith.constant 0 : i32
    %c0_i32_0 = arith.constant 0 : i32
    %c0_i32_1 = arith.constant 0 : i32
    return %c0_i32, %c0_i32_0 : i32, i32
  }
}

</mosaic_0001>

<sc_bundles>
// kernel: kernel.4.cloned.1.call-start
scs
__scs_entry_jumppad:
0x0: {  	(pc) =	sbr.rel $0x88, $3  }
0x1: {  	(tag) =	ssettag $0x0;
	lr =	simm.s32 $0x1  }
0x2: {  	[smem:$0x3F9F] =	sst lr;
	_ =	strace $0xD0000000  }
0x3: {  	_ = 	snop  }
0x4: {  	_ = 	snop  }
0x5: {  	_ = 	snop  }
0x6: {  	_ = 	snop  }
0x7: {  	_ = 	snop  }
__scs_overlays_trampoline_lowered:
0x8: {  	[smem:$0x3FAE] =	sst s0  }
0x9: {  	[smem:$0x3FAF] =	sst s1  }
0xa: {  	[smem:$0x3FB0] =	sst s2  }
0xb: {  	[smem:$0x3FB1] =	sst s3  }
0xc: {  	[smem:$0x3FB2] =	sst s4  }
0xd: {  	[smem:$0x3FB3] =	sst s5  }
0xe: {  	[smem:$0x3FB4] =	sst s6  }
0xf: {  	[smem:$0x3FB5] =	sst s7  }
0x10: {  	[smem:$0x3FB6] =	sst s8  }
0x11: {  	[smem:$0x3FB7] =	sst s9;
	s0 =	simm.s32 @!p0 $0x0  }
0x12: {  	s1 =	sld [smem:$0x3F9D];
	s0 =	simm.s32 @p0 $0x1  }
0x13: {  	[smem:$0x3FB8] =	sst s0;
	s0 =	simm.s32 @!p1 $0x0  }
0x14: {  	s2 =	sld [smem:$0x3F9C];
	s0 =	simm.s32 @p1 $0x1  }
0x15: {  	[smem:$0x3FB9] =	sst s0;
	s0 =	simm.s32 @!p2 $0x0  }
0x16: {  	s3 =	sld [smem:$0x3FDB];
	s0 =	simm.s32 @p2 $0x1  }
0x17: {  	s4 =	simm.s32 $0x1BF5;
	[smem:$0x3FBB] =	sst s0  }
0x18: {  	s0 =	sld [smem:$0x3F9E];
	_ =	swait.ge [sflag:s4], $0x0  }
0x19: {  	s7 =	sld [smem:$0x3F9F]  }
0x1a: {  	s8 =	sadd.s32 $0xFFFFE003, lr  }
0x1b: {  	s9 =	sadd.s32 $0xFFFFFEF7, lr;
	s5 =	simm.s32 $0xFFFFFFFF;
	p2 =	slt.u32 s8, $0xFFFFF086  }
0x1c: {  	p1 =	slt.u32 s9, $0xF7A;
	s5 =	simm.s32 @!p2 $0x0  }
0x1d: {  	s5 =	simm.s32 @p1 $0x1;
	p0 =	seq.s32 s7, s2  }
0x1e: {  	s7 =	smul.u32 @!p0 $0xF7A, s2;
	p2 =	seq.s32 @!p0 s5, $0x0  }
0x1f: {  	s9 =	smul.u32 $0xF7A, s1;
	s8 =	simm.s32 @!p0 $0x1BF5;
	p2 =	por !p2, p0  }
0x20: {  	[sflag:s8] =	ssyncset.s32 @!p0 $0xFFFFF086;
	s6 =	sadd.s32 @!p0 s3, s7;
	s7 =	simm.s32 @!p0 $0x108  }
0x21: {  	s3 =	sadd.s32 s3, s9;
	s6 =	sadd.s32 @!p0 $0x88, s6;
	s7 =	simm.s32 @p2 $0x1082  }
0x22: {  	[simem:s7], [sflag:s8] =	dma.local @!p0 [hbm:s6], $0xF7A  }
0x23: {  	s9 =	sor.u32 $0xD0000000, s2;
	s6 =	simm.s32 $0x108;
	_ =	swait.ge @!p0 [sflag:s8], $0x0  }
0x24: {  	s3 =	sadd.s32 $0x88, s3;
	s6 =	simm.s32 @!p1 $0x1082;
	[sflag:s4] =	ssyncset.s32 $0xFFFFF086  }
0x25: {  	[simem:s6], [sflag:s4] =	dma.local [hbm:s3], $0xF7A  }
0x26: {  	[smem:$0x3F9F] =	sst s1;
	(tag) =	ssettag s2;
	_ =	strace s9  }
0x27: {  	s1 =	sld [smem:$0x3FAF]  }
0x28: {  	s2 =	sld [smem:$0x3FB0]  }
0x29: {  	s4 =	sld [smem:$0x3FB2]  }
0x2a: {  	p0 =	seq.s32 s5, $0x0;
	s5 =	sld [smem:$0x3FB3]  }
0x2b: {  	s6 =	sld [smem:$0x3FB4]  }
0x2c: {  	s7 =	sld [smem:$0x3FB5]  }
0x2d: {  	s3 =	simm.s32 $0x108;
	s8 =	sld [smem:$0x3FB6]  }
0x2e: {  	s3 =	simm.s32 @!p0 $0x1082;
	s9 =	sld [smem:$0x3FB7]  }
0x2f: {  	lr =	sadd.s32 s0, s3;
	s0 =	sld [smem:$0x3FAE]  }
0x30: {  	s3 =	sld [smem:$0x3FB1]  }
0x31: {  	[smem:$0x3FBA] =	sst s10  }
0x32: {  	s10 =	sld [smem:$0x3FB8];
	_ =	sdelay $0x3  }
0x33: {  	p0 =	seq.s32 s10, $0x1;
	s10 =	sld [smem:$0x3FBA];
	_ =	sdelay $0x3  }
0x34: {  	[smem:$0x3FBA] =	sst s10  }
0x35: {  	s10 =	sld [smem:$0x3FB9];
	_ =	sdelay $0x3  }
0x36: {  	p1 =	seq.s32 s10, $0x1;
	s10 =	sld [smem:$0x3FBA];
	_ =	sdelay $0x3  }
0x37: {  	[smem:$0x3FBA] =	sst s10  }
0x38: {  	s10 =	sld [smem:$0x3FBB]  }
0x39: {  	_ = 	snop;
	(pc) =	sbr.ind lr, $3  }
0x3a: {  	_ = 	snop  }
0x3b: {  	_ = 	snop  }
0x3c: {  	p2 =	seq.s32 s10, $0x1;
	s10 =	sld [smem:$0x3FBA]  }
0x3d: {  	_ =	shalt  }
0x3e: {  	_ =	shalt  }
0x3f: {  	_ =	shalt  }
0x40: {  	_ =	shalt  }
0x41: {  	_ =	shalt  }
0x42: {  	_ =	shalt  }
0x43: {  	_ =	shalt  }
0x44: {  	_ =	shalt  }
0x45: {  	_ =	shalt  }
0x46: {  	_ =	shalt  }
0x47: {  	_ =	shalt  }
0x48: {  	_ =	shalt  }
0x49: {  	_ =	shalt  }
0x4a: {  	_ =	shalt  }
0x4b: {  	_ =	shalt  }
0x4c: {  	_ =	shalt  }
0x4d: {  	_ =	shalt  }
0x4e: {  	_ =	shalt  }
0x4f: {  	_ =	shalt  }
0x50: {  	_ =	shalt  }
0x51: {  	_ =	shalt  }
0x52: {  	_ =	shalt  }
0x53: {  	_ =	shalt  }
0x54: {  	_ =	shalt  }
0x55: {  	_ =	shalt  }
0x56: {  	_ =	shalt  }
0x57: {  	_ =	shalt  }
0x58: {  	_ =	shalt  }
0x59: {  	_ =	shalt  }
0x5a: {  	_ =	shalt  }
0x5b: {  	_ =	shalt  }
0x5c: {  	_ =	shalt  }
0x5d: {  	_ =	shalt  }
0x5e: {  	_ =	shalt  }
0x5f: {  	_ =	shalt  }
0x60: {  	_ =	shalt  }
0x61: {  	_ =	shalt  }
0x62: {  	_ =	shalt  }
0x63: {  	_ =	shalt  }
0x64: {  	_ =	shalt  }
0x65: {  	_ =	shalt  }
0x66: {  	_ =	shalt  }
0x67: {  	_ =	shalt  }
0x68: {  	_ =	shalt  }
0x69: {  	_ =	shalt  }
0x6a: {  	_ =	shalt  }
0x6b: {  	_ =	shalt  }
0x6c: {  	_ =	shalt  }
0x6d: {  	_ =	shalt  }
0x6e: {  	_ =	shalt  }
0x6f: {  	_ =	shalt  }
0x70: {  	_ =	shalt  }
0x71: {  	_ =	shalt  }
0x72: {  	_ =	shalt  }
0x73: {  	_ =	shalt  }
0x74: {  	_ =	shalt  }
0x75: {  	_ =	shalt  }
0x76: {  	_ =	shalt  }
0x77: {  	_ =	shalt  }
0x78: {  	_ =	shalt  }
0x79: {  	_ =	shalt  }
0x7a: {  	_ =	shalt  }
0x7b: {  	_ =	shalt  }
0x7c: {  	_ =	shalt  }
0x7d: {  	_ =	shalt  }
0x7e: {  	_ =	shalt  }
0x7f: {  	_ =	shalt  }
0x80: {  	_ =	shalt  }
0x81: {  	_ =	shalt  }
0x82: {  	_ =	shalt  }
0x83: {  	_ =	shalt  }
0x84: {  	_ =	shalt  }
0x85: {  	_ =	shalt  }
0x86: {  	_ =	shalt  }
0x87: {  	_ =	shalt  }
.Lfunc_end0:
.L_simem_size_0:
called_computation_lowered:
.L_overlay_start_0:
0x88: {  	s0 =	sld [smem:$0x3FD9]  }
0x89: {  	s1 =	sld [smem:$0x3FFE];
	_ =	sdelay $0x3  }
0x8a: {  	s0 =	sadd.s32 s1, s0  }
0x8b: {  	[smem:$0x3FC6] =	sst s0  }
0x8c: {  	_ = 	snop  }
0x8d: {  	s0 =	sld [smem:$0x3FD0];
	_ =	sdelay $0x2  }
0x8e: {  	s13 =	simm.s32 $0xA;
	s2 =	simm.s32 $0x10  }
0x8f: {  	[smem:s2], [sflag:s13] =	dma.local [hbm:s0], $0x1  }
0x90: {  	_ =	swait.eq [sflag:s13], $0x1  }
0x91: {  	[sflag:s13] =	ssyncset.done $0x0  }
0x92: {  	[sflag:s13] =	ssyncadd.s32 $0xFFFFFFFF  }
0x93: {  	s14 =	sld [smem:$0x10];
	(tm) =	ssettm $0x1  }
0x94: {  	s15 =	sld [smem:$0x3FFB];
	_ =	sdelay $0x3  }
0x95: {  	_ =	strace s15  }
0x96: {  	s1 =	sld [smem:$0x3FFC];
	_ =	sdelay $0x3  }
0x97: {  	_ =	strace s1  }
0x98: {  	s1 =	sld [smem:$0x3FFD];
	_ =	sdelay $0x3  }
0x99: {  	_ =	strace s1  }
0x9a: {  	_ =	strace $0x8FFFFFFF  }
0x9b: {  	s16 =	sld [smem:$0x3FDB];
	_ =	sdelay $0x1  }
0x9c: {  	s17 =	simm.s32 $_scs_section_size  }
0x9d: {  	s3 =	simm.s32 $_size__tile_overlayer_lowered;
	s4 =	simm.s32 $_tile_overlayer_lowered  }
0x9e: {  	s20 =	simm.s32 $0x1BFF;
	s19 =	sshll.u32 s4, $0x1;
	s1 =	sadd.s32 s17, s16  }
0x9f: {  	s5 =	simm.s32 $0x0;
	s18 =	sshll.u32 s3, $0x1;
	s3 =	sadd.s32 s19, s1  }
0xa0: {  	[timem:s5], [sflag:s20] =	dma.local [hbm:s3], s18  }
0xa1: {  	_ =	swait.ge [sflag:s20], s18  }
0xa2: {  	s2 =	ssub.s32 $0x0, s18;
	[sflag:s20] =	ssyncset.done $0x0  }
0xa3: {  	[sflag:s20] =	ssyncadd.s32 s2;
	_ =	sdelay $0x1  }
0xa4: {  	s21 =	simm.s32 $0x1B8B  }
0xa5: {  	_ =	swait.ge [sflag:s21], $0x1  }
0xa6: {  	[sflag:s21] =	ssyncset.done $0x0  }
0xa7: {  	s23 =	simm.s32 $0x1B8E;
	s22 =	sld [smem:$0x3FFE];
	[sflag:s21] =	ssyncadd.s32 $0xFFFFFFFF  }
0xa8: {  	s24 =	simm.s32 $execute0_lowered;
	[smem:$0x3FD2] =	sst s23  }
0xa9: {  	s3 =	sshll.u32 s24, $0x1;
	_ =	strace $0x80000046;
	[dreg:$0x1] =	wrdreg $0xFFFFFFFF  }
0xaa: {  	s25 =	simm.s32 $_size_execute0_lowered;
	s1 =	sadd.s32 s1, s3;
	[dreg:$0x0] =	wrdreg $0x0  }
0xab: {  	s3 =	sshll.u32 s25, $0x1;
	[dreg:$0x2] =	wrdreg s1  }
0xac: {  	[dreg:$0x3] =	wrdreg s3  }
0xad: {  	[dreg:$0x4] =	wrdreg $0xC0  }
0xae: {  	_ =	task [dreg:s5], $0x5FFFF  }
0xaf: {  	[dreg:$0x1] =	wrdreg $0xFFFFFFFF  }
0xb0: {  	[dreg:$0x0] =	wrdreg $0x60  }
0xb1: {  	[dreg:$0x2] =	wrdreg s22  }
0xb2: {  	[dreg:$0x3] =	wrdreg s14  }
0xb3: {  	[dreg:$0x4] =	wrdreg $0x9  }
0xb4: {  	_ =	task.clear_ibuf [dreg:s5], $0x5FFFF;
	_ =	strace $0x90000046  }
0xb5: {  	s26 =	simm.s32 $0x9;
	_ =	strace $0x80000048  }
0xb6: {  	_ =	swait.ge [sflag:s26], $0x1  }
0xb7: {  	[sflag:s26] =	ssyncadd.s32 $0xFFFFFFFF  }
0xb8: {  	_ =	strace $0x90000048  }
0xb9: {  	_ =	sfence  }
0xba: {  	s28 =	sld [smem:$0x0];
	_ =	sdelay $0x1  }
0xbb: {  	s29 =	srdreg.scid  }
0xbc: {  	s30 =	sshll.u32 s29, $0xD;
	s31 =	sshrl.u32 s29, $0x2  }
0xbd: {  	s2 =	sand.u32 $0x4000, s30;
	s1 =	sand.u32 $0x1, s29;
	s0 =	sadd.s32 s31, s28  }
0xbe: {  	s1 =	sor.u32 s2, s1;
	s0 =	sshll.u32 s0, $0x11  }
0xbf: {  	s0 =	sor.u32 s0, s1  }
0xc0: {  	s0 =	sadd.s32 $0x8F2B, s0  }
0xc1: {  	[sflag:s0] =	ssyncadd.remote.s32 $0x1  }
0xc2: {  	_ =	sfence.sel $0xFFFF  }
0xc3: {  	[dreg:$0x0] =	wrdreg $0xFFFFFFFF;
	(pc) =	sbr.abs _section_cstart, $3  }
0xc4: {  	[dreg:$0x1] =	wrdreg $0xFFFFFFFF  }
0xc5: {  	_ =	task.clear_ibuf [dreg:s5], $0x2FFFF;
	_ =	strace $0x9FFFFFFF  }
0xc6: {  	(tm) =	ssettm $0x7FFFFFFF  }
0xc7: {  	_ =	shalt  }
tec
execute0_lowered:
.L_overlay_start_1:
0x0: {  	(tag) =	ssettag $0x1  }
0x1: {  	s0 =	rddreg [dreg:$0x0]  }
0x2: {  	s1 =	rddreg [dreg:$0x1]  }
0x3: {  	s2 =	rddreg [dreg:$0x2];
	s3 =	simm.s32 $0x0;
	s4 =	stileid.u32  }
0x4: {  	[smem:$0x7FF] =	sst s3;
	s5 =	sshll.u32 s4, $0x5  }
0x5: {  	s29 =	simm.s32 $0x2;
	_ =	strace $0x80000047;
	s1 =	sadd.s32 s1, s5  }
0x6: {  	[tilespmem:s3], [sflag:$0x2] =	stream.linear.gather [hbm4b:s1+s3], $0x100, $0x38;
	[tilespmem:$0x2100] =	vst v63  }
0x7: {  	_ =	swait.ge [sflag:s29], $0x100  }
0x8: {  	s6 =	simm.s32 $0x100;
	[sflag:s29] =	ssyncset.done $0x0  }
0x9: {  	s31 =	simm.s32 $0x1;
	s30 =	sadd.s32 $0x800, s0;
	[sflag:s29] =	ssyncadd.s32 $0xFFFFFF00  }
0xa: {  	[tilespmem:s6], [sflag:$0x1] =	stream.indirect.gather [hbm4b:s30+s6], $0x20, s3, s6, $0xb8;
	[tilespmem:$0x2100] =	vst v63  }
0xb: {  	s7 =	sshll.u32 s4, $0xA;
	_ =	swait.ge [sflag:s31], $0x2000  }
0xc: {  	s0 =	sadd.s32 s7, s0;
	[sflag:s31] =	ssyncset.done $0x0  }
0xd: {  	s0 =	sadd.s32 $0x8800, s0;
	[sflag:s31] =	ssyncadd.s32 $0xFFFFE000  }
0xe: {  	[hbm4b:s0+s3] =	stream.linear.scatter [tilespmem:s6], [sflag:$0x2], $0x2000, $0x38;
	[tilespmem:$0x2100] =	vst v63  }
0xf: {  	_ =	swait.ge [sflag:s29], $0x2000  }
0x10: {  	[sflag:s29] =	ssyncset.done $0x0  }
0x11: {  	[sflag:s29] =	ssyncadd.s32 $0xFFFFE000  }
0x12: {  	_ =	sfence.sel $0x180000  }
0x13: {  	[bflag:$0x0] =	sbarrier.arrive $0xFFFF  }
0x14: {  	p0 =	sne.s32 s4, $0x0;
	_ =	strace $0x90000047  }
0x15: {  	s0 =	sadd.s32 @!p0 $0x100000, s2;
	[bflag:$0x2] =	sbarrier.arrive $0xFFFF  }
0x16: {  	[sflag:s0] =	ssyncadd.tile.s32 @!p0 $0x1;
	_ =	shalt  }
.Lfunc_end2:
_tile_overlayer_lowered:
.L_overlay_start_2:
0x17: {  	(tag) =	ssettag $0x2  }
0x18: {  	s0 =	rddreg [dreg:$0x0];
	s2 =	stileid.u32  }
0x19: {  	s1 =	rddreg [dreg:$0x1];
	p0 =	sne.s32 s2, $0x0  }
0x1a: {  	s3 =	rddreg [dreg:$0x2];
	[bflag:$0x3] =	sbarrier.arrive $0xFFFF;
	s2 =	simm.s32 @!p0 $0x1C02  }
0x1b: {  	[timem:s3], [sflag:s2] =	dma.local @!p0 [hbm:s0], s1  }
0x1c: {  	s0 =	simm.s32 @!p0 $0x2  }
0x1d: {  	_ =	swait.ge @!p0 [sflag:s0], s1  }
0x1e: {  	s1 =	ssub.s32 @!p0 $0x0, s1;
	[sflag:s0] =	ssyncset.done @!p0 $0x0  }
0x1f: {  	[sflag:s0] =	ssyncadd.s32 @!p0 s1  }
0x20: {  	[bflag:$0x3] =	sbarrier.arrive $0xFFFF  }
0x21: {  	_ =	shalt  }

</sc_bundles>
